<compile_context>
chip_gen: v7x
topology: tpu7x:2x2x1
jax: 0.10.2.dev20260603
libtpu: 0.0.44.dev20260713+nightly
codegen_flags: <defaults>
</compile_context>

<pallas_src>
import jax
import jax.numpy as jnp
from jax import lax
from jax.experimental import pallas as pl
from jax.experimental.pallas import tpu as pltpu
from jax.experimental.pallas import tpu_sc as plsc

N_EDGES = 800000
EMBED_DIM = 64
NPAIR = N_EDGES // 2
NUM_CORES = 2
NUM_SUBCORES = 16
NW = NUM_CORES * NUM_SUBCORES
PER_W = NPAIR // NW
STAGE = 12504
CHUNK = 200
NCHUNK = 64
NBUF = 4

TR_ROWS = 16000
TR_NB = NPAIR // TR_ROWS


def _sc_body(w2_hbm, idx_hbm, out_hbm, idx_v, table_s,
             b0, b1, b2, b3, g0, g1, g2, g3, w0, w1, w2, w3):
    cid = lax.axis_index("c")
    sid = lax.axis_index("s")
    wid = sid * NUM_CORES + cid

    raw = wid * PER_W
    base = raw + (raw % 8)
    nraw = (wid + 1) * PER_W
    nbase = nraw + (nraw % 8)
    size = nbase - base
    base = pl.multiple_of(base, 8)

    bufs = (b0, b1, b2, b3)
    gsems = (g0, g1, g2, g3)
    wsems = (w0, w1, w2, w3)

    @pl.when(sid == 0)
    def _stage_table():
        pltpu.sync_copy(w2_hbm, table_s)

    pltpu.sync_copy(idx_hbm.at[pl.ds(base, STAGE)], idx_v)
    plsc.subcore_barrier()

    def chunk_off(j):
        return pl.multiple_of(lax.min(j * CHUNK, size - CHUNK), 8)

    def start_gather(j, b):
        pltpu.async_copy(
            table_s.at[idx_v.at[pl.ds(chunk_off(j), CHUNK)]], bufs[b], gsems[b]
        )

    def wait_gather(b):
        pltpu.make_async_copy(
            table_s.at[idx_v.at[pl.ds(0, CHUNK)]], bufs[b], gsems[b]
        ).wait()

    def start_write(j, b):
        pltpu.async_copy(
            bufs[b], out_hbm.at[pl.ds(base + chunk_off(j), CHUNK)], wsems[b]
        )

    def wait_write(b):
        pltpu.make_async_copy(
            bufs[b], out_hbm.at[pl.ds(base, CHUNK)], wsems[b]
        ).wait()

    for b in range(NBUF):
        start_gather(b, b)

    def step(t, carry):
        for b in range(NBUF):
            wait_gather(b)
            start_write(NBUF * t + b, b)
        for b in range(NBUF):
            wait_write(b)
            start_gather(NBUF * t + NBUF + b, b)
        return carry

    lax.fori_loop(0, (NCHUNK - NBUF) // NBUF, step, 0)

    for b in range(NBUF):
        wait_gather(b)
        start_write(NCHUNK - NBUF + b, b)
    for b in range(NBUF):
        wait_write(b)


def _sc_gather(pidx_padded, w2):
    mesh = plsc.VectorSubcoreMesh(core_axis_name="c", subcore_axis_name="s")
    k = pl.kernel(
        _sc_body,
        out_type=jax.ShapeDtypeStruct((NPAIR, 2 * EMBED_DIM), jnp.float32),
        mesh=mesh,
        scratch_types=[
            pltpu.VMEM((STAGE,), jnp.int32),
            pltpu.VMEM_SHARED((16, 2 * EMBED_DIM), jnp.float32),
            pltpu.VMEM((CHUNK, 2 * EMBED_DIM), jnp.float32),
            pltpu.VMEM((CHUNK, 2 * EMBED_DIM), jnp.float32),
            pltpu.VMEM((CHUNK, 2 * EMBED_DIM), jnp.float32),
            pltpu.VMEM((CHUNK, 2 * EMBED_DIM), jnp.float32),
            pltpu.SemaphoreType.DMA,
            pltpu.SemaphoreType.DMA,
            pltpu.SemaphoreType.DMA,
            pltpu.SemaphoreType.DMA,
            pltpu.SemaphoreType.DMA,
            pltpu.SemaphoreType.DMA,
            pltpu.SemaphoreType.DMA,
            pltpu.SemaphoreType.DMA,
        ],
        compiler_params=pltpu.CompilerParams(
            use_tc_tiling_on_sc=False, needs_layout_passes=False
        ),
    )
    return k(w2, pidx_padded)


def _tr_body(x_ref, y_ref, t_ref):
    h = pl.program_id(1)

    @pl.when(h == 0)
    def _full_transpose():
        t_ref[...] = jnp.transpose(x_ref[...], (1, 0))

    y_ref[...] = t_ref[pl.ds(h * EMBED_DIM, EMBED_DIM), :]


def _tc_transpose(x):
    return pl.pallas_call(
        _tr_body,
        grid=(TR_NB, 2),
        in_specs=[pl.BlockSpec((TR_ROWS, 2 * EMBED_DIM), lambda r, h: (r, 0))],
        out_specs=pl.BlockSpec((EMBED_DIM, TR_ROWS), lambda r, h: (0, h * TR_NB + r)),
        out_shape=jax.ShapeDtypeStruct((EMBED_DIM, N_EDGES), jnp.float32),
        scratch_shapes=[pltpu.VMEM((2 * EMBED_DIM, TR_ROWS), jnp.float32)],
    )(x)


def kernel(edge_attr, weight):
    idx = edge_attr.astype(jnp.int32)
    pidx = idx[:NPAIR] * 4 + idx[NPAIR:]
    pidx_padded = jnp.zeros((NPAIR + 128,), jnp.int32).at[:NPAIR].set(pidx)
    w2 = jnp.concatenate(
        [jnp.repeat(weight, 4, axis=0), jnp.tile(weight, (4, 1))], axis=1
    )
    x = _sc_gather(pidx_padded, w2)
    y = _tc_transpose(x)
    return y.T

# --- scband reference (transcript-rebuilt; emitter-appended) ---
"""Pipeline reference for scband-bond-feat-encoder-20426864459953 (READ-ONLY COPY).

The authoritative reference and input builder live on the scoring server;
editing this copy changes nothing except your own understanding.
"""

import jax, jax.numpy as jnp
import numpy as np

EMBED_DIM = 64
NUM_EMB = 4
N_EDGES = 800000

def _xavier_uniform(key, shape):
    fan_in, fan_out = shape[1], shape[0]
    a = float(np.sqrt(6.0 / (fan_in + fan_out)))
    return jax.random.uniform(key, shape, dtype=jnp.float32, minval=-a, maxval=a)

def setup_inputs(seed: int = 0) -> dict:
    key = jax.random.key(seed)
    k1, k2 = jax.random.split(key)
    edge_attr = jax.random.randint(k1, (N_EDGES,), 0, NUM_EMB, dtype=jnp.int64 if jax.config.jax_enable_x64 else jnp.int32)
    weight = _xavier_uniform(k2, (NUM_EMB, EMBED_DIM))
    return {"edge_attr": edge_attr, "weight": weight}

def reference(edge_attr, weight):
    # nn.Embedding lookup: gather rows of the table by edge_attr indices
    return jnp.take(weight, edge_attr, axis=0)

if __name__ == "__main__":
    import jax
    _d = setup_inputs()
    print(jax.jit(kernel)(*tuple(_d.values())))

</pallas_src>

<mosaic_0001>
#map = affine_map<(d0, d1) -> (0, 0)>
#map1 = affine_map<(d0, d1) -> (0)>
module attributes {stable_mosaic.version = 14 : i64} {
  func.func @_sc_body(%arg0: i32, %arg1: i32, %arg2: memref<16x128xf32, #tpu.memory_space<hbm>>, %arg3: memref<400128xi32, #tpu.memory_space<hbm>>, %arg4: memref<400000x128xf32, #tpu.memory_space<hbm>>, %arg5: memref<12504xi32, #tpu.memory_space<vmem>>, %arg6: memref<16x128xf32, #tpu.memory_space<vmem_shared>>, %arg7: memref<200x128xf32, #tpu.memory_space<vmem>>, %arg8: memref<200x128xf32, #tpu.memory_space<vmem>>, %arg9: memref<200x128xf32, #tpu.memory_space<vmem>>, %arg10: memref<200x128xf32, #tpu.memory_space<vmem>>, %arg11: memref<!tpu.dma_semaphore, #tpu.memory_space<semaphore_mem>>, %arg12: memref<!tpu.dma_semaphore, #tpu.memory_space<semaphore_mem>>, %arg13: memref<!tpu.dma_semaphore, #tpu.memory_space<semaphore_mem>>, %arg14: memref<!tpu.dma_semaphore, #tpu.memory_space<semaphore_mem>>, %arg15: memref<!tpu.dma_semaphore, #tpu.memory_space<semaphore_mem>>, %arg16: memref<!tpu.dma_semaphore, #tpu.memory_space<semaphore_mem>>, %arg17: memref<!tpu.dma_semaphore, #tpu.memory_space<semaphore_mem>>, %arg18: memref<!tpu.dma_semaphore, #tpu.memory_space<semaphore_mem>>) attributes {dimension_semantics = [#tpu.dimension_semantics<core_parallel>, #tpu.dimension_semantics<subcore_parallel>], iteration_bounds = array<i64: 2, 16>, scalar_prefetch = 0 : i64, scratch_operands = 14 : i64, tpu.core_type = #tpu.core_type<sc_vector_subcore>, window_params = [{transform_indices = #map}, {transform_indices = #map1}, {transform_indices = #map}]} {
    %mul3A = arith.constant 2 : i32
    %mul3A_0 = arith.muli %arg1, %mul3A : i32
    %add3A = arith.addi %mul3A_0, %arg0 : i32
    %mul3A_1 = arith.constant 12500 : i32
    %mul3A_2 = arith.muli %add3A, %mul3A_1 : i32
    %jit3A = arith.constant 8 : i32
    %eq3A = arith.constant 0 : i32
    %eq3A_3 = arith.cmpi eq, %jit3A, %eq3A : i32
    %jit3A_4 = arith.constant 1 : i32
    %select_n3A = arith.select %eq3A_3, %jit3A_4, %jit3A : i32
    %rem3A = arith.remsi %mul3A_2, %select_n3A : i32
    %ne3A = arith.constant 0 : i32
    %ne3A_5 = arith.cmpi ne, %rem3A, %ne3A : i32
    %lt3A = arith.constant 0 : i32
    %lt3A_6 = arith.cmpi slt, %rem3A, %lt3A : i32
    %lt3A_7 = arith.constant 0 : i32
    %lt3A_8 = arith.cmpi slt, %select_n3A, %lt3A_7 : i32
    %ne3A_9 = arith.xori %lt3A_6, %lt3A_8 : i1
    %and3A = arith.andi %ne3A_9, %ne3A_5 : i1
    %add3A_10 = arith.addi %rem3A, %select_n3A : i32
    %select_n3A_11 = arith.select %and3A, %add3A_10, %rem3A : i32
    %add3A_12 = arith.addi %mul3A_2, %select_n3A_11 : i32
    %add3A_13 = arith.constant 1 : i32
    %add3A_14 = arith.addi %add3A, %add3A_13 : i32
    %mul3A_15 = arith.constant 12500 : i32
    %mul3A_16 = arith.muli %add3A_14, %mul3A_15 : i32
    %jit3A_17 = arith.constant 8 : i32
    %eq3A_18 = arith.constant 0 : i32
    %eq3A_19 = arith.cmpi eq, %jit3A_17, %eq3A_18 : i32
    %jit3A_20 = arith.constant 1 : i32
    %select_n3A_21 = arith.select %eq3A_19, %jit3A_20, %jit3A_17 : i32
    %rem3A_22 = arith.remsi %mul3A_16, %select_n3A_21 : i32
    %ne3A_23 = arith.constant 0 : i32
    %ne3A_24 = arith.cmpi ne, %rem3A_22, %ne3A_23 : i32
    %lt3A_25 = arith.constant 0 : i32
    %lt3A_26 = arith.cmpi slt, %rem3A_22, %lt3A_25 : i32
    %lt3A_27 = arith.constant 0 : i32
    %lt3A_28 = arith.cmpi slt, %select_n3A_21, %lt3A_27 : i32
    %ne3A_29 = arith.xori %lt3A_26, %lt3A_28 : i1
    %and3A_30 = arith.andi %ne3A_29, %ne3A_24 : i1
    %add3A_31 = arith.addi %rem3A_22, %select_n3A_21 : i32
    %select_n3A_32 = arith.select %and3A_30, %add3A_31, %rem3A_22 : i32
    %add3A_33 = arith.addi %mul3A_16, %select_n3A_32 : i32
    %sub3A = arith.subi %add3A_33, %add3A_12 : i32
    %multiple_of3A = tpu.assume_multiple %add3A_12, 8 : i32
    %eq3A_34 = arith.constant 0 : i32
    %eq3A_35 = arith.cmpi eq, %arg1, %eq3A_34 : i32
    %convert_element_type3A = arith.extui %eq3A_35 : i1 to i32
    %cond3A = arith.constant 0 : i32
    %cond3A_36 = arith.cmpi ne, %convert_element_type3A, %cond3A : i32
    scf.if %cond3A_36 {
      "tpu.region"() ({
        %run_scoped3A = tpu.sem_alloc : memref<!tpu.dma_semaphore, #tpu.memory_space<semaphore_mem>>
        tpu.enqueue_dma source(%arg2 : memref<16x128xf32, #tpu.memory_space<hbm>>) target(%arg6 : memref<16x128xf32, #tpu.memory_space<vmem_shared>>) target_semaphore(%run_scoped3A : memref<!tpu.dma_semaphore, #tpu.memory_space<semaphore_mem>>)
        tpu.wait_dma2 semaphore(%run_scoped3A : memref<!tpu.dma_semaphore, #tpu.memory_space<semaphore_mem>>) src(%arg2 : memref<16x128xf32, #tpu.memory_space<hbm>>) dst(%arg6 : memref<16x128xf32, #tpu.memory_space<vmem_shared>>)
        tpu.yield
      }) : () -> ()
    } else {
    }
    "tpu.region"() ({
      %run_scoped3A = tpu.sem_alloc : memref<!tpu.dma_semaphore, #tpu.memory_space<semaphore_mem>>
      %dma_start3A_151 = tpu.memref_slice %arg3[%multiple_of3A] : memref<400128xi32, #tpu.memory_space<hbm>> -> memref<12504xi32, #tpu.memory_space<hbm>>
      %dma_start3A_152 = tpu.memref_slice %arg3[%multiple_of3A] : memref<400128xi32, #tpu.memory_space<hbm>> -> memref<12504xi32, #tpu.memory_space<hbm>>
      tpu.enqueue_dma source(%dma_start3A_152 : memref<12504xi32, #tpu.memory_space<hbm>>) target(%arg5 : memref<12504xi32, #tpu.memory_space<vmem>>) target_semaphore(%run_scoped3A : memref<!tpu.dma_semaphore, #tpu.memory_space<semaphore_mem>>)
      %dma_wait3A_153 = tpu.memref_slice %arg3[%multiple_of3A] : memref<400128xi32, #tpu.memory_space<hbm>> -> memref<12504xi32, #tpu.memory_space<hbm>>
      %dma_wait3A_154 = tpu.memref_slice %arg3[%multiple_of3A] : memref<400128xi32, #tpu.memory_space<hbm>> -> memref<12504xi32, #tpu.memory_space<hbm>>
      tpu.wait_dma2 semaphore(%run_scoped3A : memref<!tpu.dma_semaphore, #tpu.memory_space<semaphore_mem>>) src(%dma_wait3A_154 : memref<12504xi32, #tpu.memory_space<hbm>>) dst(%arg5 : memref<12504xi32, #tpu.memory_space<vmem>>)
      tpu.yield
    }) : () -> ()
    %barrier3A = arith.constant 0 : index
    tpu.barrier barrier_id(%barrier3A)
    %sub3A_37 = arith.constant 200 : i32
    %sub3A_38 = arith.subi %sub3A, %sub3A_37 : i32
    %min3A = arith.constant 0 : i32
    %min3A_39 = arith.minsi %min3A, %sub3A_38 : i32
    %multiple_of3A_40 = tpu.assume_multiple %min3A_39, 8 : i32
    %dma_start3A = tpu.memref_slice %arg5[%multiple_of3A_40] : memref<12504xi32, #tpu.memory_space<vmem>> -> memref<200xi32, #tpu.memory_space<vmem>>
    %dma_start3A_41 = arith.constant 0 : i32
    %dma_start3A_42 = arith.constant 0 : i32
    %dma_start3A_43 = tpu.memref_slice %arg6[%dma_start3A_41, %dma_start3A_42] : memref<16x128xf32, #tpu.memory_space<vmem_shared>> -> memref<16x128xf32, #tpu.memory_space<vmem_shared>>
    tpu.enqueue_indirect_dma source(%dma_start3A_43 : memref<16x128xf32, #tpu.memory_space<vmem_shared>>) target(%arg7 : memref<200x128xf32, #tpu.memory_space<vmem>>) offsets(%dma_start3A : memref<200xi32, #tpu.memory_space<vmem>>) semaphore(%arg11 : memref<!tpu.dma_semaphore, #tpu.memory_space<semaphore_mem>>)
    %sub3A_44 = arith.constant 200 : i32
    %sub3A_45 = arith.subi %sub3A, %sub3A_44 : i32
    %min3A_46 = arith.constant 200 : i32
    %min3A_47 = arith.minsi %min3A_46, %sub3A_45 : i32
    %multiple_of3A_48 = tpu.assume_multiple %min3A_47, 8 : i32
    %dma_start3A_49 = tpu.memref_slice %arg5[%multiple_of3A_48] : memref<12504xi32, #tpu.memory_space<vmem>> -> memref<200xi32, #tpu.memory_space<vmem>>
    %dma_start3A_50 = arith.constant 0 : i32
    %dma_start3A_51 = arith.constant 0 : i32
    %dma_start3A_52 = tpu.memref_slice %arg6[%dma_start3A_50, %dma_start3A_51] : memref<16x128xf32, #tpu.memory_space<vmem_shared>> -> memref<16x128xf32, #tpu.memory_space<vmem_shared>>
    tpu.enqueue_indirect_dma source(%dma_start3A_52 : memref<16x128xf32, #tpu.memory_space<vmem_shared>>) target(%arg8 : memref<200x128xf32, #tpu.memory_space<vmem>>) offsets(%dma_start3A_49 : memref<200xi32, #tpu.memory_space<vmem>>) semaphore(%arg12 : memref<!tpu.dma_semaphore, #tpu.memory_space<semaphore_mem>>)
    %sub3A_53 = arith.constant 200 : i32
    %sub3A_54 = arith.subi %sub3A, %sub3A_53 : i32
    %min3A_55 = arith.constant 400 : i32
    %min3A_56 = arith.minsi %min3A_55, %sub3A_54 : i32
    %multiple_of3A_57 = tpu.assume_multiple %min3A_56, 8 : i32
    %dma_start3A_58 = tpu.memref_slice %arg5[%multiple_of3A_57] : memref<12504xi32, #tpu.memory_space<vmem>> -> memref<200xi32, #tpu.memory_space<vmem>>
    %dma_start3A_59 = arith.constant 0 : i32
    %dma_start3A_60 = arith.constant 0 : i32
    %dma_start3A_61 = tpu.memref_slice %arg6[%dma_start3A_59, %dma_start3A_60] : memref<16x128xf32, #tpu.memory_space<vmem_shared>> -> memref<16x128xf32, #tpu.memory_space<vmem_shared>>
    tpu.enqueue_indirect_dma source(%dma_start3A_61 : memref<16x128xf32, #tpu.memory_space<vmem_shared>>) target(%arg9 : memref<200x128xf32, #tpu.memory_space<vmem>>) offsets(%dma_start3A_58 : memref<200xi32, #tpu.memory_space<vmem>>) semaphore(%arg13 : memref<!tpu.dma_semaphore, #tpu.memory_space<semaphore_mem>>)
    %sub3A_62 = arith.constant 200 : i32
    %sub3A_63 = arith.subi %sub3A, %sub3A_62 : i32
    %min3A_64 = arith.constant 600 : i32
    %min3A_65 = arith.minsi %min3A_64, %sub3A_63 : i32
    %multiple_of3A_66 = tpu.assume_multiple %min3A_65, 8 : i32
    %dma_start3A_67 = tpu.memref_slice %arg5[%multiple_of3A_66] : memref<12504xi32, #tpu.memory_space<vmem>> -> memref<200xi32, #tpu.memory_space<vmem>>
    %dma_start3A_68 = arith.constant 0 : i32
    %dma_start3A_69 = arith.constant 0 : i32
    %dma_start3A_70 = tpu.memref_slice %arg6[%dma_start3A_68, %dma_start3A_69] : memref<16x128xf32, #tpu.memory_space<vmem_shared>> -> memref<16x128xf32, #tpu.memory_space<vmem_shared>>
    tpu.enqueue_indirect_dma source(%dma_start3A_70 : memref<16x128xf32, #tpu.memory_space<vmem_shared>>) target(%arg10 : memref<200x128xf32, #tpu.memory_space<vmem>>) offsets(%dma_start3A_67 : memref<200xi32, #tpu.memory_space<vmem>>) semaphore(%arg14 : memref<!tpu.dma_semaphore, #tpu.memory_space<semaphore_mem>>)
    %scan3A = arith.constant 0 : i32
    %scan3A_71 = arith.constant 0 : i32
    %scan3A_72 = arith.constant 15 : i32
    %scan3A_73 = arith.addi %scan3A_71, %scan3A_72 : i32
    %scan3A_74 = arith.constant 1 : i32
    scf.for %scan3A_151 = %scan3A_71 to %scan3A_73 step %scan3A_74  : i32 {
      %dma_wait3A_152 = arith.constant 0 : i32
      %dma_wait3A_153 = tpu.memref_slice %arg5[%dma_wait3A_152] : memref<12504xi32, #tpu.memory_space<vmem>> -> memref<200xi32, #tpu.memory_space<vmem>>
      %dma_wait3A_154 = arith.constant 0 : i32
      %dma_wait3A_155 = arith.constant 0 : i32
      %dma_wait3A_156 = tpu.memref_slice %arg6[%dma_wait3A_154, %dma_wait3A_155] : memref<16x128xf32, #tpu.memory_space<vmem_shared>> -> memref<16x128xf32, #tpu.memory_space<vmem_shared>>
      tpu.wait_indirect_dma semaphore(%arg11 : memref<!tpu.dma_semaphore, #tpu.memory_space<semaphore_mem>>) src(%dma_wait3A_156 : memref<16x128xf32, #tpu.memory_space<vmem_shared>>) dst(%arg7 : memref<200x128xf32, #tpu.memory_space<vmem>>)
      %mul3A_157 = arith.constant 4 : i32
      %mul3A_158 = arith.muli %mul3A_157, %scan3A_151 : i32
      %add3A_159 = arith.constant 0 : i32
      %add3A_160 = arith.addi %mul3A_158, %add3A_159 : i32
      %mul3A_161 = arith.constant 200 : i32
      %mul3A_162 = arith.muli %add3A_160, %mul3A_161 : i32
      %sub3A_163 = arith.constant 200 : i32
      %sub3A_164 = arith.subi %sub3A, %sub3A_163 : i32
      %min3A_165 = arith.minsi %mul3A_162, %sub3A_164 : i32
      %multiple_of3A_166 = tpu.assume_multiple %min3A_165, 8 : i32
      %add3A_167 = arith.addi %multiple_of3A, %multiple_of3A_166 : i32
      %dma_start3A_168 = arith.constant 0 : i32
      %dma_start3A_169 = tpu.memref_slice %arg4[%add3A_167, %dma_start3A_168] : memref<400000x128xf32, #tpu.memory_space<hbm>> -> memref<200x128xf32, #tpu.memory_space<hbm>>
      %dma_start3A_170 = arith.constant 0 : i32
      %dma_start3A_171 = tpu.memref_slice %arg4[%add3A_167, %dma_start3A_170] : memref<400000x128xf32, #tpu.memory_space<hbm>> -> memref<200x128xf32, #tpu.memory_space<hbm>>
      tpu.enqueue_dma source(%arg7 : memref<200x128xf32, #tpu.memory_space<vmem>>) target(%dma_start3A_171 : memref<200x128xf32, #tpu.memory_space<hbm>>) target_semaphore(%arg15 : memref<!tpu.dma_semaphore, #tpu.memory_space<semaphore_mem>>)
      %dma_wait3A_172 = arith.constant 0 : i32
      %dma_wait3A_173 = tpu.memref_slice %arg5[%dma_wait3A_172] : memref<12504xi32, #tpu.memory_space<vmem>> -> memref<200xi32, #tpu.memory_space<vmem>>
      %dma_wait3A_174 = arith.constant 0 : i32
      %dma_wait3A_175 = arith.constant 0 : i32
      %dma_wait3A_176 = tpu.memref_slice %arg6[%dma_wait3A_174, %dma_wait3A_175] : memref<16x128xf32, #tpu.memory_space<vmem_shared>> -> memref<16x128xf32, #tpu.memory_space<vmem_shared>>
      tpu.wait_indirect_dma semaphore(%arg12 : memref<!tpu.dma_semaphore, #tpu.memory_space<semaphore_mem>>) src(%dma_wait3A_176 : memref<16x128xf32, #tpu.memory_space<vmem_shared>>) dst(%arg8 : memref<200x128xf32, #tpu.memory_space<vmem>>)
      %mul3A_177 = arith.constant 4 : i32
      %mul3A_178 = arith.muli %mul3A_177, %scan3A_151 : i32
      %add3A_179 = arith.constant 1 : i32
      %add3A_180 = arith.addi %mul3A_178, %add3A_179 : i32
      %mul3A_181 = arith.constant 200 : i32
      %mul3A_182 = arith.muli %add3A_180, %mul3A_181 : i32
      %sub3A_183 = arith.constant 200 : i32
      %sub3A_184 = arith.subi %sub3A, %sub3A_183 : i32
      %min3A_185 = arith.minsi %mul3A_182, %sub3A_184 : i32
      %multiple_of3A_186 = tpu.assume_multiple %min3A_185, 8 : i32
      %add3A_187 = arith.addi %multiple_of3A, %multiple_of3A_186 : i32
      %dma_start3A_188 = arith.constant 0 : i32
      %dma_start3A_189 = tpu.memref_slice %arg4[%add3A_187, %dma_start3A_188] : memref<400000x128xf32, #tpu.memory_space<hbm>> -> memref<200x128xf32, #tpu.memory_space<hbm>>
      %dma_start3A_190 = arith.constant 0 : i32
      %dma_start3A_191 = tpu.memref_slice %arg4[%add3A_187, %dma_start3A_190] : memref<400000x128xf32, #tpu.memory_space<hbm>> -> memref<200x128xf32, #tpu.memory_space<hbm>>
      tpu.enqueue_dma source(%arg8 : memref<200x128xf32, #tpu.memory_space<vmem>>) target(%dma_start3A_191 : memref<200x128xf32, #tpu.memory_space<hbm>>) target_semaphore(%arg16 : memref<!tpu.dma_semaphore, #tpu.memory_space<semaphore_mem>>)
      %dma_wait3A_192 = arith.constant 0 : i32
      %dma_wait3A_193 = tpu.memref_slice %arg5[%dma_wait3A_192] : memref<12504xi32, #tpu.memory_space<vmem>> -> memref<200xi32, #tpu.memory_space<vmem>>
      %dma_wait3A_194 = arith.constant 0 : i32
      %dma_wait3A_195 = arith.constant 0 : i32
      %dma_wait3A_196 = tpu.memref_slice %arg6[%dma_wait3A_194, %dma_wait3A_195] : memref<16x128xf32, #tpu.memory_space<vmem_shared>> -> memref<16x128xf32, #tpu.memory_space<vmem_shared>>
      tpu.wait_indirect_dma semaphore(%arg13 : memref<!tpu.dma_semaphore, #tpu.memory_space<semaphore_mem>>) src(%dma_wait3A_196 : memref<16x128xf32, #tpu.memory_space<vmem_shared>>) dst(%arg9 : memref<200x128xf32, #tpu.memory_space<vmem>>)
      %mul3A_197 = arith.constant 4 : i32
      %mul3A_198 = arith.muli %mul3A_197, %scan3A_151 : i32
      %add3A_199 = arith.constant 2 : i32
      %add3A_200 = arith.addi %mul3A_198, %add3A_199 : i32
      %mul3A_201 = arith.constant 200 : i32
      %mul3A_202 = arith.muli %add3A_200, %mul3A_201 : i32
      %sub3A_203 = arith.constant 200 : i32
      %sub3A_204 = arith.subi %sub3A, %sub3A_203 : i32
      %min3A_205 = arith.minsi %mul3A_202, %sub3A_204 : i32
      %multiple_of3A_206 = tpu.assume_multiple %min3A_205, 8 : i32
      %add3A_207 = arith.addi %multiple_of3A, %multiple_of3A_206 : i32
      %dma_start3A_208 = arith.constant 0 : i32
      %dma_start3A_209 = tpu.memref_slice %arg4[%add3A_207, %dma_start3A_208] : memref<400000x128xf32, #tpu.memory_space<hbm>> -> memref<200x128xf32, #tpu.memory_space<hbm>>
      %dma_start3A_210 = arith.constant 0 : i32
      %dma_start3A_211 = tpu.memref_slice %arg4[%add3A_207, %dma_start3A_210] : memref<400000x128xf32, #tpu.memory_space<hbm>> -> memref<200x128xf32, #tpu.memory_space<hbm>>
      tpu.enqueue_dma source(%arg9 : memref<200x128xf32, #tpu.memory_space<vmem>>) target(%dma_start3A_211 : memref<200x128xf32, #tpu.memory_space<hbm>>) target_semaphore(%arg17 : memref<!tpu.dma_semaphore, #tpu.memory_space<semaphore_mem>>)
      %dma_wait3A_212 = arith.constant 0 : i32
      %dma_wait3A_213 = tpu.memref_slice %arg5[%dma_wait3A_212] : memref<12504xi32, #tpu.memory_space<vmem>> -> memref<200xi32, #tpu.memory_space<vmem>>
      %dma_wait3A_214 = arith.constant 0 : i32
      %dma_wait3A_215 = arith.constant 0 : i32
      %dma_wait3A_216 = tpu.memref_slice %arg6[%dma_wait3A_214, %dma_wait3A_215] : memref<16x128xf32, #tpu.memory_space<vmem_shared>> -> memref<16x128xf32, #tpu.memory_space<vmem_shared>>
      tpu.wait_indirect_dma semaphore(%arg14 : memref<!tpu.dma_semaphore, #tpu.memory_space<semaphore_mem>>) src(%dma_wait3A_216 : memref<16x128xf32, #tpu.memory_space<vmem_shared>>) dst(%arg10 : memref<200x128xf32, #tpu.memory_space<vmem>>)
      %mul3A_217 = arith.constant 4 : i32
      %mul3A_218 = arith.muli %mul3A_217, %scan3A_151 : i32
      %add3A_219 = arith.constant 3 : i32
      %add3A_220 = arith.addi %mul3A_218, %add3A_219 : i32
      %mul3A_221 = arith.constant 200 : i32
      %mul3A_222 = arith.muli %add3A_220, %mul3A_221 : i32
      %sub3A_223 = arith.constant 200 : i32
      %sub3A_224 = arith.subi %sub3A, %sub3A_223 : i32
      %min3A_225 = arith.minsi %mul3A_222, %sub3A_224 : i32
      %multiple_of3A_226 = tpu.assume_multiple %min3A_225, 8 : i32
      %add3A_227 = arith.addi %multiple_of3A, %multiple_of3A_226 : i32
      %dma_start3A_228 = arith.constant 0 : i32
      %dma_start3A_229 = tpu.memref_slice %arg4[%add3A_227, %dma_start3A_228] : memref<400000x128xf32, #tpu.memory_space<hbm>> -> memref<200x128xf32, #tpu.memory_space<hbm>>
      %dma_start3A_230 = arith.constant 0 : i32
      %dma_start3A_231 = tpu.memref_slice %arg4[%add3A_227, %dma_start3A_230] : memref<400000x128xf32, #tpu.memory_space<hbm>> -> memref<200x128xf32, #tpu.memory_space<hbm>>
      tpu.enqueue_dma source(%arg10 : memref<200x128xf32, #tpu.memory_space<vmem>>) target(%dma_start3A_231 : memref<200x128xf32, #tpu.memory_space<hbm>>) target_semaphore(%arg18 : memref<!tpu.dma_semaphore, #tpu.memory_space<semaphore_mem>>)
      %dma_wait3A_232 = arith.constant 0 : i32
      %dma_wait3A_233 = tpu.memref_slice %arg4[%multiple_of3A, %dma_wait3A_232] : memref<400000x128xf32, #tpu.memory_space<hbm>> -> memref<200x128xf32, #tpu.memory_space<hbm>>
      %dma_wait3A_234 = arith.constant 0 : i32
      %dma_wait3A_235 = tpu.memref_slice %arg4[%multiple_of3A, %dma_wait3A_234] : memref<400000x128xf32, #tpu.memory_space<hbm>> -> memref<200x128xf32, #tpu.memory_space<hbm>>
      tpu.wait_dma2 semaphore(%arg15 : memref<!tpu.dma_semaphore, #tpu.memory_space<semaphore_mem>>) src(%arg7 : memref<200x128xf32, #tpu.memory_space<vmem>>) dst(%dma_wait3A_235 : memref<200x128xf32, #tpu.memory_space<hbm>>)
      %mul3A_236 = arith.constant 4 : i32
      %mul3A_237 = arith.muli %mul3A_236, %scan3A_151 : i32
      %add3A_238 = arith.constant 4 : i32
      %add3A_239 = arith.addi %mul3A_237, %add3A_238 : i32
      %add3A_240 = arith.constant 0 : i32
      %add3A_241 = arith.addi %add3A_239, %add3A_240 : i32
      %mul3A_242 = arith.constant 200 : i32
      %mul3A_243 = arith.muli %add3A_241, %mul3A_242 : i32
      %sub3A_244 = arith.constant 200 : i32
      %sub3A_245 = arith.subi %sub3A, %sub3A_244 : i32
      %min3A_246 = arith.minsi %mul3A_243, %sub3A_245 : i32
      %multiple_of3A_247 = tpu.assume_multiple %min3A_246, 8 : i32
      %dma_start3A_248 = tpu.memref_slice %arg5[%multiple_of3A_247] : memref<12504xi32, #tpu.memory_space<vmem>> -> memref<200xi32, #tpu.memory_space<vmem>>
      %dma_start3A_249 = arith.constant 0 : i32
      %dma_start3A_250 = arith.constant 0 : i32
      %dma_start3A_251 = tpu.memref_slice %arg6[%dma_start3A_249, %dma_start3A_250] : memref<16x128xf32, #tpu.memory_space<vmem_shared>> -> memref<16x128xf32, #tpu.memory_space<vmem_shared>>
      tpu.enqueue_indirect_dma source(%dma_start3A_251 : memref<16x128xf32, #tpu.memory_space<vmem_shared>>) target(%arg7 : memref<200x128xf32, #tpu.memory_space<vmem>>) offsets(%dma_start3A_248 : memref<200xi32, #tpu.memory_space<vmem>>) semaphore(%arg11 : memref<!tpu.dma_semaphore, #tpu.memory_space<semaphore_mem>>)
      %dma_wait3A_252 = arith.constant 0 : i32
      %dma_wait3A_253 = tpu.memref_slice %arg4[%multiple_of3A, %dma_wait3A_252] : memref<400000x128xf32, #tpu.memory_space<hbm>> -> memref<200x128xf32, #tpu.memory_space<hbm>>
      %dma_wait3A_254 = arith.constant 0 : i32
      %dma_wait3A_255 = tpu.memref_slice %arg4[%multiple_of3A, %dma_wait3A_254] : memref<400000x128xf32, #tpu.memory_space<hbm>> -> memref<200x128xf32, #tpu.memory_space<hbm>>
      tpu.wait_dma2 semaphore(%arg16 : memref<!tpu.dma_semaphore, #tpu.memory_space<semaphore_mem>>) src(%arg8 : memref<200x128xf32, #tpu.memory_space<vmem>>) dst(%dma_wait3A_255 : memref<200x128xf32, #tpu.memory_space<hbm>>)
      %mul3A_256 = arith.constant 4 : i32
      %mul3A_257 = arith.muli %mul3A_256, %scan3A_151 : i32
      %add3A_258 = arith.constant 4 : i32
      %add3A_259 = arith.addi %mul3A_257, %add3A_258 : i32
      %add3A_260 = arith.constant 1 : i32
      %add3A_261 = arith.addi %add3A_259, %add3A_260 : i32
      %mul3A_262 = arith.constant 200 : i32
      %mul3A_263 = arith.muli %add3A_261, %mul3A_262 : i32
      %sub3A_264 = arith.constant 200 : i32
      %sub3A_265 = arith.subi %sub3A, %sub3A_264 : i32
      %min3A_266 = arith.minsi %mul3A_263, %sub3A_265 : i32
      %multiple_of3A_267 = tpu.assume_multiple %min3A_266, 8 : i32
      %dma_start3A_268 = tpu.memref_slice %arg5[%multiple_of3A_267] : memref<12504xi32, #tpu.memory_space<vmem>> -> memref<200xi32, #tpu.memory_space<vmem>>
      %dma_start3A_269 = arith.constant 0 : i32
      %dma_start3A_270 = arith.constant 0 : i32
      %dma_start3A_271 = tpu.memref_slice %arg6[%dma_start3A_269, %dma_start3A_270] : memref<16x128xf32, #tpu.memory_space<vmem_shared>> -> memref<16x128xf32, #tpu.memory_space<vmem_shared>>
      tpu.enqueue_indirect_dma source(%dma_start3A_271 : memref<16x128xf32, #tpu.memory_space<vmem_shared>>) target(%arg8 : memref<200x128xf32, #tpu.memory_space<vmem>>) offsets(%dma_start3A_268 : memref<200xi32, #tpu.memory_space<vmem>>) semaphore(%arg12 : memref<!tpu.dma_semaphore, #tpu.memory_space<semaphore_mem>>)
      %dma_wait3A_272 = arith.constant 0 : i32
      %dma_wait3A_273 = tpu.memref_slice %arg4[%multiple_of3A, %dma_wait3A_272] : memref<400000x128xf32, #tpu.memory_space<hbm>> -> memref<200x128xf32, #tpu.memory_space<hbm>>
      %dma_wait3A_274 = arith.constant 0 : i32
      %dma_wait3A_275 = tpu.memref_slice %arg4[%multiple_of3A, %dma_wait3A_274] : memref<400000x128xf32, #tpu.memory_space<hbm>> -> memref<200x128xf32, #tpu.memory_space<hbm>>
      tpu.wait_dma2 semaphore(%arg17 : memref<!tpu.dma_semaphore, #tpu.memory_space<semaphore_mem>>) src(%arg9 : memref<200x128xf32, #tpu.memory_space<vmem>>) dst(%dma_wait3A_275 : memref<200x128xf32, #tpu.memory_space<hbm>>)
      %mul3A_276 = arith.constant 4 : i32
      %mul3A_277 = arith.muli %mul3A_276, %scan3A_151 : i32
      %add3A_278 = arith.constant 4 : i32
      %add3A_279 = arith.addi %mul3A_277, %add3A_278 : i32
      %add3A_280 = arith.constant 2 : i32
      %add3A_281 = arith.addi %add3A_279, %add3A_280 : i32
      %mul3A_282 = arith.constant 200 : i32
      %mul3A_283 = arith.muli %add3A_281, %mul3A_282 : i32
      %sub3A_284 = arith.constant 200 : i32
      %sub3A_285 = arith.subi %sub3A, %sub3A_284 : i32
      %min3A_286 = arith.minsi %mul3A_283, %sub3A_285 : i32
      %multiple_of3A_287 = tpu.assume_multiple %min3A_286, 8 : i32
      %dma_start3A_288 = tpu.memref_slice %arg5[%multiple_of3A_287] : memref<12504xi32, #tpu.memory_space<vmem>> -> memref<200xi32, #tpu.memory_space<vmem>>
      %dma_start3A_289 = arith.constant 0 : i32
      %dma_start3A_290 = arith.constant 0 : i32
      %dma_start3A_291 = tpu.memref_slice %arg6[%dma_start3A_289, %dma_start3A_290] : memref<16x128xf32, #tpu.memory_space<vmem_shared>> -> memref<16x128xf32, #tpu.memory_space<vmem_shared>>
      tpu.enqueue_indirect_dma source(%dma_start3A_291 : memref<16x128xf32, #tpu.memory_space<vmem_shared>>) target(%arg9 : memref<200x128xf32, #tpu.memory_space<vmem>>) offsets(%dma_start3A_288 : memref<200xi32, #tpu.memory_space<vmem>>) semaphore(%arg13 : memref<!tpu.dma_semaphore, #tpu.memory_space<semaphore_mem>>)
      %dma_wait3A_292 = arith.constant 0 : i32
      %dma_wait3A_293 = tpu.memref_slice %arg4[%multiple_of3A, %dma_wait3A_292] : memref<400000x128xf32, #tpu.memory_space<hbm>> -> memref<200x128xf32, #tpu.memory_space<hbm>>
      %dma_wait3A_294 = arith.constant 0 : i32
      %dma_wait3A_295 = tpu.memref_slice %arg4[%multiple_of3A, %dma_wait3A_294] : memref<400000x128xf32, #tpu.memory_space<hbm>> -> memref<200x128xf32, #tpu.memory_space<hbm>>
      tpu.wait_dma2 semaphore(%arg18 : memref<!tpu.dma_semaphore, #tpu.memory_space<semaphore_mem>>) src(%arg10 : memref<200x128xf32, #tpu.memory_space<vmem>>) dst(%dma_wait3A_295 : memref<200x128xf32, #tpu.memory_space<hbm>>)
      %mul3A_296 = arith.constant 4 : i32
      %mul3A_297 = arith.muli %mul3A_296, %scan3A_151 : i32
      %add3A_298 = arith.constant 4 : i32
      %add3A_299 = arith.addi %mul3A_297, %add3A_298 : i32
      %add3A_300 = arith.constant 3 : i32
      %add3A_301 = arith.addi %add3A_299, %add3A_300 : i32
      %mul3A_302 = arith.constant 200 : i32
      %mul3A_303 = arith.muli %add3A_301, %mul3A_302 : i32
      %sub3A_304 = arith.constant 200 : i32
      %sub3A_305 = arith.subi %sub3A, %sub3A_304 : i32
      %min3A_306 = arith.minsi %mul3A_303, %sub3A_305 : i32
      %multiple_of3A_307 = tpu.assume_multiple %min3A_306, 8 : i32
      %dma_start3A_308 = tpu.memref_slice %arg5[%multiple_of3A_307] : memref<12504xi32, #tpu.memory_space<vmem>> -> memref<200xi32, #tpu.memory_space<vmem>>
      %dma_start3A_309 = arith.constant 0 : i32
      %dma_start3A_310 = arith.constant 0 : i32
      %dma_start3A_311 = tpu.memref_slice %arg6[%dma_start3A_309, %dma_start3A_310] : memref<16x128xf32, #tpu.memory_space<vmem_shared>> -> memref<16x128xf32, #tpu.memory_space<vmem_shared>>
      tpu.enqueue_indirect_dma source(%dma_start3A_311 : memref<16x128xf32, #tpu.memory_space<vmem_shared>>) target(%arg10 : memref<200x128xf32, #tpu.memory_space<vmem>>) offsets(%dma_start3A_308 : memref<200xi32, #tpu.memory_space<vmem>>) semaphore(%arg14 : memref<!tpu.dma_semaphore, #tpu.memory_space<semaphore_mem>>)
    }
    %scan3A_75 = arith.constant 15 : i32
    %dma_wait3A = arith.constant 0 : i32
    %dma_wait3A_76 = tpu.memref_slice %arg5[%dma_wait3A] : memref<12504xi32, #tpu.memory_space<vmem>> -> memref<200xi32, #tpu.memory_space<vmem>>
    %dma_wait3A_77 = arith.constant 0 : i32
    %dma_wait3A_78 = arith.constant 0 : i32
    %dma_wait3A_79 = tpu.memref_slice %arg6[%dma_wait3A_77, %dma_wait3A_78] : memref<16x128xf32, #tpu.memory_space<vmem_shared>> -> memref<16x128xf32, #tpu.memory_space<vmem_shared>>
    tpu.wait_indirect_dma semaphore(%arg11 : memref<!tpu.dma_semaphore, #tpu.memory_space<semaphore_mem>>) src(%dma_wait3A_79 : memref<16x128xf32, #tpu.memory_space<vmem_shared>>) dst(%arg7 : memref<200x128xf32, #tpu.memory_space<vmem>>)
    %sub3A_80 = arith.constant 200 : i32
    %sub3A_81 = arith.subi %sub3A, %sub3A_80 : i32
    %min3A_82 = arith.constant 12000 : i32
    %min3A_83 = arith.minsi %min3A_82, %sub3A_81 : i32
    %multiple_of3A_84 = tpu.assume_multiple %min3A_83, 8 : i32
    %add3A_85 = arith.addi %multiple_of3A, %multiple_of3A_84 : i32
    %dma_start3A_86 = arith.constant 0 : i32
    %dma_start3A_87 = tpu.memref_slice %arg4[%add3A_85, %dma_start3A_86] : memref<400000x128xf32, #tpu.memory_space<hbm>> -> memref<200x128xf32, #tpu.memory_space<hbm>>
    %dma_start3A_88 = arith.constant 0 : i32
    %dma_start3A_89 = tpu.memref_slice %arg4[%add3A_85, %dma_start3A_88] : memref<400000x128xf32, #tpu.memory_space<hbm>> -> memref<200x128xf32, #tpu.memory_space<hbm>>
    tpu.enqueue_dma source(%arg7 : memref<200x128xf32, #tpu.memory_space<vmem>>) target(%dma_start3A_89 : memref<200x128xf32, #tpu.memory_space<hbm>>) target_semaphore(%arg15 : memref<!tpu.dma_semaphore, #tpu.memory_space<semaphore_mem>>)
    %dma_wait3A_90 = arith.constant 0 : i32
    %dma_wait3A_91 = tpu.memref_slice %arg5[%dma_wait3A_90] : memref<12504xi32, #tpu.memory_space<vmem>> -> memref<200xi32, #tpu.memory_space<vmem>>
    %dma_wait3A_92 = arith.constant 0 : i32
    %dma_wait3A_93 = arith.constant 0 : i32
    %dma_wait3A_94 = tpu.memref_slice %arg6[%dma_wait3A_92, %dma_wait3A_93] : memref<16x128xf32, #tpu.memory_space<vmem_shared>> -> memref<16x128xf32, #tpu.memory_space<vmem_shared>>
    tpu.wait_indirect_dma semaphore(%arg12 : memref<!tpu.dma_semaphore, #tpu.memory_space<semaphore_mem>>) src(%dma_wait3A_94 : memref<16x128xf32, #tpu.memory_space<vmem_shared>>) dst(%arg8 : memref<200x128xf32, #tpu.memory_space<vmem>>)
    %sub3A_95 = arith.constant 200 : i32
    %sub3A_96 = arith.subi %sub3A, %sub3A_95 : i32
    %min3A_97 = arith.constant 12200 : i32
    %min3A_98 = arith.minsi %min3A_97, %sub3A_96 : i32
    %multiple_of3A_99 = tpu.assume_multiple %min3A_98, 8 : i32
    %add3A_100 = arith.addi %multiple_of3A, %multiple_of3A_99 : i32
    %dma_start3A_101 = arith.constant 0 : i32
    %dma_start3A_102 = tpu.memref_slice %arg4[%add3A_100, %dma_start3A_101] : memref<400000x128xf32, #tpu.memory_space<hbm>> -> memref<200x128xf32, #tpu.memory_space<hbm>>
    %dma_start3A_103 = arith.constant 0 : i32
    %dma_start3A_104 = tpu.memref_slice %arg4[%add3A_100, %dma_start3A_103] : memref<400000x128xf32, #tpu.memory_space<hbm>> -> memref<200x128xf32, #tpu.memory_space<hbm>>
    tpu.enqueue_dma source(%arg8 : memref<200x128xf32, #tpu.memory_space<vmem>>) target(%dma_start3A_104 : memref<200x128xf32, #tpu.memory_space<hbm>>) target_semaphore(%arg16 : memref<!tpu.dma_semaphore, #tpu.memory_space<semaphore_mem>>)
    %dma_wait3A_105 = arith.constant 0 : i32
    %dma_wait3A_106 = tpu.memref_slice %arg5[%dma_wait3A_105] : memref<12504xi32, #tpu.memory_space<vmem>> -> memref<200xi32, #tpu.memory_space<vmem>>
    %dma_wait3A_107 = arith.constant 0 : i32
    %dma_wait3A_108 = arith.constant 0 : i32
    %dma_wait3A_109 = tpu.memref_slice %arg6[%dma_wait3A_107, %dma_wait3A_108] : memref<16x128xf32, #tpu.memory_space<vmem_shared>> -> memref<16x128xf32, #tpu.memory_space<vmem_shared>>
    tpu.wait_indirect_dma semaphore(%arg13 : memref<!tpu.dma_semaphore, #tpu.memory_space<semaphore_mem>>) src(%dma_wait3A_109 : memref<16x128xf32, #tpu.memory_space<vmem_shared>>) dst(%arg9 : memref<200x128xf32, #tpu.memory_space<vmem>>)
    %sub3A_110 = arith.constant 200 : i32
    %sub3A_111 = arith.subi %sub3A, %sub3A_110 : i32
    %min3A_112 = arith.constant 12400 : i32
    %min3A_113 = arith.minsi %min3A_112, %sub3A_111 : i32
    %multiple_of3A_114 = tpu.assume_multiple %min3A_113, 8 : i32
    %add3A_115 = arith.addi %multiple_of3A, %multiple_of3A_114 : i32
    %dma_start3A_116 = arith.constant 0 : i32
    %dma_start3A_117 = tpu.memref_slice %arg4[%add3A_115, %dma_start3A_116] : memref<400000x128xf32, #tpu.memory_space<hbm>> -> memref<200x128xf32, #tpu.memory_space<hbm>>
    %dma_start3A_118 = arith.constant 0 : i32
    %dma_start3A_119 = tpu.memref_slice %arg4[%add3A_115, %dma_start3A_118] : memref<400000x128xf32, #tpu.memory_space<hbm>> -> memref<200x128xf32, #tpu.memory_space<hbm>>
    tpu.enqueue_dma source(%arg9 : memref<200x128xf32, #tpu.memory_space<vmem>>) target(%dma_start3A_119 : memref<200x128xf32, #tpu.memory_space<hbm>>) target_semaphore(%arg17 : memref<!tpu.dma_semaphore, #tpu.memory_space<semaphore_mem>>)
    %dma_wait3A_120 = arith.constant 0 : i32
    %dma_wait3A_121 = tpu.memref_slice %arg5[%dma_wait3A_120] : memref<12504xi32, #tpu.memory_space<vmem>> -> memref<200xi32, #tpu.memory_space<vmem>>
    %dma_wait3A_122 = arith.constant 0 : i32
    %dma_wait3A_123 = arith.constant 0 : i32
    %dma_wait3A_124 = tpu.memref_slice %arg6[%dma_wait3A_122, %dma_wait3A_123] : memref<16x128xf32, #tpu.memory_space<vmem_shared>> -> memref<16x128xf32, #tpu.memory_space<vmem_shared>>
    tpu.wait_indirect_dma semaphore(%arg14 : memref<!tpu.dma_semaphore, #tpu.memory_space<semaphore_mem>>) src(%dma_wait3A_124 : memref<16x128xf32, #tpu.memory_space<vmem_shared>>) dst(%arg10 : memref<200x128xf32, #tpu.memory_space<vmem>>)
    %sub3A_125 = arith.constant 200 : i32
    %sub3A_126 = arith.subi %sub3A, %sub3A_125 : i32
    %min3A_127 = arith.constant 12600 : i32
    %min3A_128 = arith.minsi %min3A_127, %sub3A_126 : i32
    %multiple_of3A_129 = tpu.assume_multiple %min3A_128, 8 : i32
    %add3A_130 = arith.addi %multiple_of3A, %multiple_of3A_129 : i32
    %dma_start3A_131 = arith.constant 0 : i32
    %dma_start3A_132 = tpu.memref_slice %arg4[%add3A_130, %dma_start3A_131] : memref<400000x128xf32, #tpu.memory_space<hbm>> -> memref<200x128xf32, #tpu.memory_space<hbm>>
    %dma_start3A_133 = arith.constant 0 : i32
    %dma_start3A_134 = tpu.memref_slice %arg4[%add3A_130, %dma_start3A_133] : memref<400000x128xf32, #tpu.memory_space<hbm>> -> memref<200x128xf32, #tpu.memory_space<hbm>>
    tpu.enqueue_dma source(%arg10 : memref<200x128xf32, #tpu.memory_space<vmem>>) target(%dma_start3A_134 : memref<200x128xf32, #tpu.memory_space<hbm>>) target_semaphore(%arg18 : memref<!tpu.dma_semaphore, #tpu.memory_space<semaphore_mem>>)
    %dma_wait3A_135 = arith.constant 0 : i32
    %dma_wait3A_136 = tpu.memref_slice %arg4[%multiple_of3A, %dma_wait3A_135] : memref<400000x128xf32, #tpu.memory_space<hbm>> -> memref<200x128xf32, #tpu.memory_space<hbm>>
    %dma_wait3A_137 = arith.constant 0 : i32
    %dma_wait3A_138 = tpu.memref_slice %arg4[%multiple_of3A, %dma_wait3A_137] : memref<400000x128xf32, #tpu.memory_space<hbm>> -> memref<200x128xf32, #tpu.memory_space<hbm>>
    tpu.wait_dma2 semaphore(%arg15 : memref<!tpu.dma_semaphore, #tpu.memory_space<semaphore_mem>>) src(%arg7 : memref<200x128xf32, #tpu.memory_space<vmem>>) dst(%dma_wait3A_138 : memref<200x128xf32, #tpu.memory_space<hbm>>)
    %dma_wait3A_139 = arith.constant 0 : i32
    %dma_wait3A_140 = tpu.memref_slice %arg4[%multiple_of3A, %dma_wait3A_139] : memref<400000x128xf32, #tpu.memory_space<hbm>> -> memref<200x128xf32, #tpu.memory_space<hbm>>
    %dma_wait3A_141 = arith.constant 0 : i32
    %dma_wait3A_142 = tpu.memref_slice %arg4[%multiple_of3A, %dma_wait3A_141] : memref<400000x128xf32, #tpu.memory_space<hbm>> -> memref<200x128xf32, #tpu.memory_space<hbm>>
    tpu.wait_dma2 semaphore(%arg16 : memref<!tpu.dma_semaphore, #tpu.memory_space<semaphore_mem>>) src(%arg8 : memref<200x128xf32, #tpu.memory_space<vmem>>) dst(%dma_wait3A_142 : memref<200x128xf32, #tpu.memory_space<hbm>>)
    %dma_wait3A_143 = arith.constant 0 : i32
    %dma_wait3A_144 = tpu.memref_slice %arg4[%multiple_of3A, %dma_wait3A_143] : memref<400000x128xf32, #tpu.memory_space<hbm>> -> memref<200x128xf32, #tpu.memory_space<hbm>>
    %dma_wait3A_145 = arith.constant 0 : i32
    %dma_wait3A_146 = tpu.memref_slice %arg4[%multiple_of3A, %dma_wait3A_145] : memref<400000x128xf32, #tpu.memory_space<hbm>> -> memref<200x128xf32, #tpu.memory_space<hbm>>
    tpu.wait_dma2 semaphore(%arg17 : memref<!tpu.dma_semaphore, #tpu.memory_space<semaphore_mem>>) src(%arg9 : memref<200x128xf32, #tpu.memory_space<vmem>>) dst(%dma_wait3A_146 : memref<200x128xf32, #tpu.memory_space<hbm>>)
    %dma_wait3A_147 = arith.constant 0 : i32
    %dma_wait3A_148 = tpu.memref_slice %arg4[%multiple_of3A, %dma_wait3A_147] : memref<400000x128xf32, #tpu.memory_space<hbm>> -> memref<200x128xf32, #tpu.memory_space<hbm>>
    %dma_wait3A_149 = arith.constant 0 : i32
    %dma_wait3A_150 = tpu.memref_slice %arg4[%multiple_of3A, %dma_wait3A_149] : memref<400000x128xf32, #tpu.memory_space<hbm>> -> memref<200x128xf32, #tpu.memory_space<hbm>>
    tpu.wait_dma2 semaphore(%arg18 : memref<!tpu.dma_semaphore, #tpu.memory_space<semaphore_mem>>) src(%arg10 : memref<200x128xf32, #tpu.memory_space<vmem>>) dst(%dma_wait3A_150 : memref<200x128xf32, #tpu.memory_space<hbm>>)
    return
  }
}

module attributes {stable_mosaic.version = 14 : i64} {
  func.func @_tr_body(%arg0: i32, %arg1: i32, %arg2: memref<16000x128xf32, #tpu.memory_space<vmem>>, %arg3: memref<64x16000xf32, #tpu.memory_space<vmem>>, %arg4: memref<128x16000xf32, #tpu.memory_space<vmem>>) attributes {dimension_semantics = [#tpu.dimension_semantics<arbitrary>, #tpu.dimension_semantics<arbitrary>], iteration_bounds = array<i64: 25, 2>, scalar_prefetch = 0 : i64, scratch_operands = 1 : i64, tpu.core_type = #tpu.core_type<tc>, window_params = [{transform_indices = @transform_0, window_bounds = array<i64: 16000, 128>}, {transform_indices = @transform_1, window_bounds = array<i64: 64, 16000>}]} {
    %eq3A = arith.constant 0 : i32
    %eq3A_0 = arith.cmpi eq, %arg1, %eq3A : i32
    %convert_element_type3A = arith.extui %eq3A_0 : i1 to i32
    %cond3A = arith.constant 0 : i32
    %cond3A_1 = arith.cmpi ne, %convert_element_type3A, %cond3A : i32
    scf.if %cond3A_1 {
      %get3A_7 = arith.constant 0 : index
      %get3A_8 = arith.constant 0 : index
      %get3A_9 = vector.load %arg2[%get3A_7, %get3A_8] : memref<16000x128xf32, #tpu.memory_space<vmem>>, vector<16000x128xf32>
      %transpose3A = tpu.transpose %get3A_9, [1, 0] : vector<16000x128xf32> -> vector<128x16000xf32>
      %swap3A_10 = arith.constant 0 : index
      %swap3A_11 = arith.constant 0 : index
      %swap3A_12 = vector.load %arg4[%swap3A_10, %swap3A_11] : memref<128x16000xf32, #tpu.memory_space<vmem>>, vector<128x16000xf32>
      tpu.vector_store %arg4[%swap3A_10, %swap3A_11], %transpose3A {strides = array<i32>} : memref<128x16000xf32, #tpu.memory_space<vmem>>, vector<128x16000xf32>,
    } else {
    }
    %mul3A = arith.constant 64 : i32
    %mul3A_2 = arith.muli %arg1, %mul3A : i32
    %get3A = arith.index_cast %mul3A_2 : i32 to index
    %get3A_3 = arith.constant 0 : index
    %get3A_4 = vector.load %arg4[%get3A, %get3A_3] : memref<128x16000xf32, #tpu.memory_space<vmem>>, vector<64x16000xf32>
    %swap3A = arith.constant 0 : index
    %swap3A_5 = arith.constant 0 : index
    %swap3A_6 = vector.load %arg3[%swap3A, %swap3A_5] : memref<64x16000xf32, #tpu.memory_space<vmem>>, vector<64x16000xf32>
    tpu.vector_store %arg3[%swap3A, %swap3A_5], %get3A_4 {strides = array<i32>} : memref<64x16000xf32, #tpu.memory_space<vmem>>, vector<64x16000xf32>,
    return
  }
  func.func @transform_0(%arg0: i32, %arg1: i32) -> (i32, i32) {
    %c0_i32 = arith.constant 0 : i32
    %c0_i32_0 = arith.constant 0 : i32
    return %arg0, %c0_i32 : i32, i32
  }
  func.func @transform_1(%arg0: i32, %arg1: i32) -> (i32, i32) {
    %mul3A = arith.constant 25 : i32
    %mul3A_0 = arith.muli %arg1, %mul3A : i32
    %add3A = arith.addi %mul3A_0, %arg0 : i32
    %c0_i32 = arith.constant 0 : i32
    %c0_i32_1 = arith.constant 0 : i32
    return %c0_i32, %add3A : i32, i32
  }
}

</mosaic_0001>

<sc_bundles>
// kernel: kernel.4.cloned.1.call-start
scs
__scs_entry_jumppad:
0x0: {  	(pc) =	sbr.rel $0x88, $3  }
0x1: {  	(tag) =	ssettag $0x0;
	lr =	simm.s32 $0x1  }
0x2: {  	[smem:$0x3F9F] =	sst lr;
	_ =	strace $0xD0000000  }
0x3: {  	_ = 	snop  }
0x4: {  	_ = 	snop  }
0x5: {  	_ = 	snop  }
0x6: {  	_ = 	snop  }
0x7: {  	_ = 	snop  }
__scs_overlays_trampoline_lowered:
0x8: {  	[smem:$0x3FAE] =	sst s0  }
0x9: {  	[smem:$0x3FAF] =	sst s1  }
0xa: {  	[smem:$0x3FB0] =	sst s2  }
0xb: {  	[smem:$0x3FB1] =	sst s3  }
0xc: {  	[smem:$0x3FB2] =	sst s4  }
0xd: {  	[smem:$0x3FB3] =	sst s5  }
0xe: {  	[smem:$0x3FB4] =	sst s6  }
0xf: {  	[smem:$0x3FB5] =	sst s7  }
0x10: {  	[smem:$0x3FB6] =	sst s8  }
0x11: {  	[smem:$0x3FB7] =	sst s9;
	s0 =	simm.s32 @!p0 $0x0  }
0x12: {  	s1 =	sld [smem:$0x3F9D];
	s0 =	simm.s32 @p0 $0x1  }
0x13: {  	[smem:$0x3FB8] =	sst s0;
	s0 =	simm.s32 @!p1 $0x0  }
0x14: {  	s2 =	sld [smem:$0x3F9C];
	s0 =	simm.s32 @p1 $0x1  }
0x15: {  	[smem:$0x3FB9] =	sst s0;
	s0 =	simm.s32 @!p2 $0x0  }
0x16: {  	s3 =	sld [smem:$0x3FDB];
	s0 =	simm.s32 @p2 $0x1  }
0x17: {  	s4 =	simm.s32 $0x1BF5;
	[smem:$0x3FBB] =	sst s0  }
0x18: {  	s0 =	sld [smem:$0x3F9E];
	_ =	swait.ge [sflag:s4], $0x0  }
0x19: {  	s7 =	sld [smem:$0x3F9F]  }
0x1a: {  	s8 =	sadd.s32 $0xFFFFE003, lr  }
0x1b: {  	s9 =	sadd.s32 $0xFFFFFEF7, lr;
	s5 =	simm.s32 $0xFFFFFFFF;
	p2 =	slt.u32 s8, $0xFFFFF086  }
0x1c: {  	p1 =	slt.u32 s9, $0xF7A;
	s5 =	simm.s32 @!p2 $0x0  }
0x1d: {  	s5 =	simm.s32 @p1 $0x1;
	p0 =	seq.s32 s7, s2  }
0x1e: {  	s7 =	smul.u32 @!p0 $0xF7A, s2;
	p2 =	seq.s32 @!p0 s5, $0x0  }
0x1f: {  	s9 =	smul.u32 $0xF7A, s1;
	s8 =	simm.s32 @!p0 $0x1BF5;
	p2 =	por !p2, p0  }
0x20: {  	[sflag:s8] =	ssyncset.s32 @!p0 $0xFFFFF086;
	s6 =	sadd.s32 @!p0 s3, s7;
	s7 =	simm.s32 @!p0 $0x108  }
0x21: {  	s3 =	sadd.s32 s3, s9;
	s6 =	sadd.s32 @!p0 $0x88, s6;
	s7 =	simm.s32 @p2 $0x1082  }
0x22: {  	[simem:s7], [sflag:s8] =	dma.local @!p0 [hbm:s6], $0xF7A  }
0x23: {  	s9 =	sor.u32 $0xD0000000, s2;
	s6 =	simm.s32 $0x108;
	_ =	swait.ge @!p0 [sflag:s8], $0x0  }
0x24: {  	s3 =	sadd.s32 $0x88, s3;
	s6 =	simm.s32 @!p1 $0x1082;
	[sflag:s4] =	ssyncset.s32 $0xFFFFF086  }
0x25: {  	[simem:s6], [sflag:s4] =	dma.local [hbm:s3], $0xF7A  }
0x26: {  	[smem:$0x3F9F] =	sst s1;
	(tag) =	ssettag s2;
	_ =	strace s9  }
0x27: {  	s1 =	sld [smem:$0x3FAF]  }
0x28: {  	s2 =	sld [smem:$0x3FB0]  }
0x29: {  	s4 =	sld [smem:$0x3FB2]  }
0x2a: {  	p0 =	seq.s32 s5, $0x0;
	s5 =	sld [smem:$0x3FB3]  }
0x2b: {  	s6 =	sld [smem:$0x3FB4]  }
0x2c: {  	s7 =	sld [smem:$0x3FB5]  }
0x2d: {  	s3 =	simm.s32 $0x108;
	s8 =	sld [smem:$0x3FB6]  }
0x2e: {  	s3 =	simm.s32 @!p0 $0x1082;
	s9 =	sld [smem:$0x3FB7]  }
0x2f: {  	lr =	sadd.s32 s0, s3;
	s0 =	sld [smem:$0x3FAE]  }
0x30: {  	s3 =	sld [smem:$0x3FB1]  }
0x31: {  	[smem:$0x3FBA] =	sst s10  }
0x32: {  	s10 =	sld [smem:$0x3FB8];
	_ =	sdelay $0x3  }
0x33: {  	p0 =	seq.s32 s10, $0x1;
	s10 =	sld [smem:$0x3FBA];
	_ =	sdelay $0x3  }
0x34: {  	[smem:$0x3FBA] =	sst s10  }
0x35: {  	s10 =	sld [smem:$0x3FB9];
	_ =	sdelay $0x3  }
0x36: {  	p1 =	seq.s32 s10, $0x1;
	s10 =	sld [smem:$0x3FBA];
	_ =	sdelay $0x3  }
0x37: {  	[smem:$0x3FBA] =	sst s10  }
0x38: {  	s10 =	sld [smem:$0x3FBB]  }
0x39: {  	_ = 	snop;
	(pc) =	sbr.ind lr, $3  }
0x3a: {  	_ = 	snop  }
0x3b: {  	_ = 	snop  }
0x3c: {  	p2 =	seq.s32 s10, $0x1;
	s10 =	sld [smem:$0x3FBA]  }
0x3d: {  	_ =	shalt  }
0x3e: {  	_ =	shalt  }
0x3f: {  	_ =	shalt  }
0x40: {  	_ =	shalt  }
0x41: {  	_ =	shalt  }
0x42: {  	_ =	shalt  }
0x43: {  	_ =	shalt  }
0x44: {  	_ =	shalt  }
0x45: {  	_ =	shalt  }
0x46: {  	_ =	shalt  }
0x47: {  	_ =	shalt  }
0x48: {  	_ =	shalt  }
0x49: {  	_ =	shalt  }
0x4a: {  	_ =	shalt  }
0x4b: {  	_ =	shalt  }
0x4c: {  	_ =	shalt  }
0x4d: {  	_ =	shalt  }
0x4e: {  	_ =	shalt  }
0x4f: {  	_ =	shalt  }
0x50: {  	_ =	shalt  }
0x51: {  	_ =	shalt  }
0x52: {  	_ =	shalt  }
0x53: {  	_ =	shalt  }
0x54: {  	_ =	shalt  }
0x55: {  	_ =	shalt  }
0x56: {  	_ =	shalt  }
0x57: {  	_ =	shalt  }
0x58: {  	_ =	shalt  }
0x59: {  	_ =	shalt  }
0x5a: {  	_ =	shalt  }
0x5b: {  	_ =	shalt  }
0x5c: {  	_ =	shalt  }
0x5d: {  	_ =	shalt  }
0x5e: {  	_ =	shalt  }
0x5f: {  	_ =	shalt  }
0x60: {  	_ =	shalt  }
0x61: {  	_ =	shalt  }
0x62: {  	_ =	shalt  }
0x63: {  	_ =	shalt  }
0x64: {  	_ =	shalt  }
0x65: {  	_ =	shalt  }
0x66: {  	_ =	shalt  }
0x67: {  	_ =	shalt  }
0x68: {  	_ =	shalt  }
0x69: {  	_ =	shalt  }
0x6a: {  	_ =	shalt  }
0x6b: {  	_ =	shalt  }
0x6c: {  	_ =	shalt  }
0x6d: {  	_ =	shalt  }
0x6e: {  	_ =	shalt  }
0x6f: {  	_ =	shalt  }
0x70: {  	_ =	shalt  }
0x71: {  	_ =	shalt  }
0x72: {  	_ =	shalt  }
0x73: {  	_ =	shalt  }
0x74: {  	_ =	shalt  }
0x75: {  	_ =	shalt  }
0x76: {  	_ =	shalt  }
0x77: {  	_ =	shalt  }
0x78: {  	_ =	shalt  }
0x79: {  	_ =	shalt  }
0x7a: {  	_ =	shalt  }
0x7b: {  	_ =	shalt  }
0x7c: {  	_ =	shalt  }
0x7d: {  	_ =	shalt  }
0x7e: {  	_ =	shalt  }
0x7f: {  	_ =	shalt  }
0x80: {  	_ =	shalt  }
0x81: {  	_ =	shalt  }
0x82: {  	_ =	shalt  }
0x83: {  	_ =	shalt  }
0x84: {  	_ =	shalt  }
0x85: {  	_ =	shalt  }
0x86: {  	_ =	shalt  }
0x87: {  	_ =	shalt  }
.Lfunc_end0:
.L_simem_size_0:
called_computation_lowered:
.L_overlay_start_0:
0x88: {  	s2 =	sld [smem:$0x3FD9]  }
0x89: {  	s3 =	sld [smem:$0x3FFE];
	_ =	sdelay $0x1  }
0x8a: {  	s1 =	srdreg.scid  }
0x8b: {  	s0 =	sand.u32 $0x1, s1  }
0x8c: {  	s17 =	sshll.u32 s0, $0xA;
	s2 =	sadd.s32 s3, s2  }
0x8d: {  	s2 =	sadd.s32 s2, s17  }
0x8e: {  	[smem:$0x3FC6] =	sst s2  }
0x8f: {  	_ = 	snop  }
0x90: {  	s2 =	sld [smem:$0x3FD0];
	(tm) =	ssettm $0x1  }
0x91: {  	s18 =	sld [smem:$0x3FFB];
	_ =	sdelay $0x3  }
0x92: {  	_ =	strace s18  }
0x93: {  	s3 =	sld [smem:$0x3FFC];
	_ =	sdelay $0x3  }
0x94: {  	_ =	strace s3  }
0x95: {  	s3 =	sld [smem:$0x3FFD];
	_ =	sdelay $0x3  }
0x96: {  	_ =	strace s3  }
0x97: {  	_ =	strace $0x8FFFFFFF  }
0x98: {  	s19 =	sld [smem:$0x3FDB];
	_ =	sdelay $0x1  }
0x99: {  	s4 =	simm.s32 $_scs_section_size  }
0x9a: {  	s5 =	simm.s32 $_size__tile_overlayer_lowered;
	s6 =	simm.s32 $_tile_overlayer_lowered  }
0x9b: {  	s22 =	simm.s32 $0x1BFF;
	s21 =	sshll.u32 s6, $0x1;
	s3 =	sadd.s32 s4, s19  }
0x9c: {  	s7 =	simm.s32 $0x0;
	s20 =	sshll.u32 s5, $0x1;
	s5 =	sadd.s32 s21, s3  }
0x9d: {  	[timem:s7], [sflag:s22] =	dma.local [hbm:s5], s20  }
0x9e: {  	_ =	swait.ge [sflag:s22], s20  }
0x9f: {  	s4 =	ssub.s32 $0x0, s20;
	[sflag:s22] =	ssyncset.done $0x0  }
0xa0: {  	[sflag:s22] =	ssyncadd.s32 s4;
	_ =	sdelay $0x1  }
0xa1: {  	s23 =	simm.s32 $0x1B8B  }
0xa2: {  	_ =	swait.ge [sflag:s23], $0x1  }
0xa3: {  	[sflag:s23] =	ssyncset.done $0x0  }
0xa4: {  	s25 =	simm.s32 $0x1B8E;
	s24 =	sld [smem:$0x3FFE];
	[sflag:s23] =	ssyncadd.s32 $0xFFFFFFFF  }
0xa5: {  	s26 =	simm.s32 $execute0_lowered;
	[smem:$0x3FD2] =	sst s25  }
0xa6: {  	s5 =	sshll.u32 s26, $0x1;
	_ =	strace $0x80000046;
	[dreg:$0x1] =	wrdreg $0xFFFFFFFF  }
0xa7: {  	s28 =	simm.s32 $_size_execute0_lowered;
	s3 =	sadd.s32 s3, s5;
	[dreg:$0x0] =	wrdreg $0x0  }
0xa8: {  	s5 =	sshll.u32 s28, $0x1;
	[dreg:$0x2] =	wrdreg s3  }
0xa9: {  	[dreg:$0x3] =	wrdreg s5  }
0xaa: {  	[dreg:$0x4] =	wrdreg $0xC0  }
0xab: {  	_ =	task [dreg:s7], $0x5FFFF  }
0xac: {  	[dreg:$0x1] =	wrdreg $0xFFFFFFFF  }
0xad: {  	[dreg:$0x0] =	wrdreg $0x60  }
0xae: {  	[dreg:$0x2] =	wrdreg s24  }
0xaf: {  	[dreg:$0x3] =	wrdreg s2  }
0xb0: {  	[dreg:$0x4] =	wrdreg $0x30D80  }
0xb1: {  	[dreg:$0x5] =	wrdreg $0x9  }
0xb2: {  	_ =	task.clear_ibuf [dreg:s7], $0x6FFFF;
	_ =	strace $0x90000046  }
0xb3: {  	s29 =	simm.s32 $0x9;
	_ =	strace $0x80000048  }
0xb4: {  	_ =	swait.ge [sflag:s29], $0x1  }
0xb5: {  	[sflag:s29] =	ssyncadd.s32 $0xFFFFFFFF  }
0xb6: {  	_ =	strace $0x90000048  }
0xb7: {  	_ =	sfence  }
0xb8: {  	s30 =	sld [smem:$0x0];
	_ =	sdelay $0x2  }
0xb9: {  	s31 =	sshll.u32 s1, $0xD;
	s1 =	sshrl.u32 s1, $0x2  }
0xba: {  	s3 =	sand.u32 $0x4000, s31;
	s1 =	sadd.s32 s1, s30  }
0xbb: {  	s0 =	sor.u32 s3, s0;
	s1 =	sshll.u32 s1, $0x11  }
0xbc: {  	s0 =	sor.u32 s1, s0  }
0xbd: {  	s0 =	sadd.s32 $0x8F2B, s0  }
0xbe: {  	[sflag:s0] =	ssyncadd.remote.s32 $0x1  }
0xbf: {  	_ =	sfence.sel $0xFFFF  }
0xc0: {  	[dreg:$0x0] =	wrdreg $0xFFFFFFFF;
	(pc) =	sbr.abs _section_cstart, $3  }
0xc1: {  	[dreg:$0x1] =	wrdreg $0xFFFFFFFF  }
0xc2: {  	_ =	task.clear_ibuf [dreg:s7], $0x2FFFF;
	_ =	strace $0x9FFFFFFF  }
0xc3: {  	(tm) =	ssettm $0x7FFFFFFF  }
tec
execute0_lowered:
.L_overlay_start_1:
0x0: {  	(tag) =	ssettag $0x1  }
0x1: {  	s1 =	srdreg.scid;
	s3 =	rddreg [dreg:$0x0]  }
0x2: {  	s0 =	stileid.u32;
	s6 =	rddreg [dreg:$0x1];
	s28 =	simm.s32 $0x5  }
0x3: {  	s29 =	simm.s32 $0x6;
	s30 =	simm.s32 $0x7;
	s31 =	simm.s32 $0x8  }
0x4: {  	s5 =	sand.u32 $0x1, s1;
	s16 =	sshll.u32 s0, $0x1;
	s1 =	rddreg [dreg:$0x2]  }
0x5: {  	s9 =	sadd.s32 $0x600, s3;
	s3 =	sadd.s32 $0x800, s3;
	s12 =	smul.u32 $0x61A8, s0  }
0x6: {  	s2 =	sor.u32 s5, s16;
	s17 =	ssub.s32 $0x2, s5;
	s5 =	smul.u32 $0x30D4, s5  }
0x7: {  	s4 =	smul.u32 $0x30D4, s2;
	s2 =	simm.s32 $0x0;
	s18 =	sshrl.u32 s17, $0x1  }
0x8: {  	[smem:$0x7FF] =	sst s2;
	s15 =	ssub.s32 s17, s18;
	s5 =	sadd.s32 s5, s12  }
0x9: {  	s17 =	simm.s32 $0x9;
	s18 =	simm.s32 $0xC8;
	s7 =	sand.u32 $0x4, s4  }
0xa: {  	_ =	strace $0x80000047;
	[dreg:$0x7] =	wrdreg s9;
	s8 =	sxor.u32 $0x4, s7  }
0xb: {  	s13 =	sand.u32 $0x4, s5;
	s7 =	sadd.s32 s4, s7;
	s4 =	sadd.s32 s8, s4  }
0xc: {  	s15 =	smax.u32 s15, $0x1;
	s10 =	sshrl.u32 s7, $0x3;
	s4 =	ssub.s32 s4, s7  }
0xd: {  	s5 =	sadd.s32 s13, s5;
	s6 =	sadd.s32 s6, s10;
	s4 =	sadd.s32 $0x300C, s4  }
0xe: {  	s5 =	sshll.u32 s5, $0x4;
	[dreg:$0x8] =	wrdreg s6;
	p0 =	slt.s32 s4, $0xC8  }
0xf: {  	s6 =	smov.u32 s4;
	s19 =	sshra.s32 s4, $0x1F;
	s9 =	smov.u32 s4  }
0x10: {  	s10 =	smov.u32 s4;
	s11 =	smov.u32 s4;
	s12 =	smov.u32 s4  }
0x11: {  	s6 =	simm.s32 @!p0 $0xC8;
	p0 =	slt.s32 s4, $0x190;
	s8 =	sand.u32 s19, s4  }
0x12: {  	s9 =	simm.s32 @!p0 $0x190;
	p0 =	slt.s32 s4, $0x258;
	s8 =	sand.u32 $0xFFFFFFF8, s8  }
0x13: {  	s6 =	sand.u32 $0xFFFFFFF8, s6;
	[dreg:$0x9] =	wrdreg s8;
	s10 =	simm.s32 @!p0 $0x258  }
0x14: {  	p0 =	slt.s32 s4, $0x2EE0;
	[dreg:$0xa] =	wrdreg s6;
	s6 =	smov.u32 s4  }
0x15: {  	s20 =	sand.u32 $0xFFFFFFF8, s9;
	s11 =	simm.s32 @!p0 $0x2EE0;
	p0 =	slt.s32 s4, $0x2FA8  }
0x16: {  	s19 =	simm.s32 $0x3158;
	[dreg:$0xb] =	wrdreg s20;
	s6 =	simm.s32 @!p0 $0x2FA8  }
0x17: {  	s20 =	simm.s32 $0x9558;
	s21 =	sadd.s32 s7, s11;
	s6 =	sadd.s32 s7, s6  }
0x18: {  	p0 =	slt.s32 s4, $0x3070;
	s9 =	sshll.u32 s21, $0x4;
	s6 =	sshll.u32 s6, $0x4  }
0x19: {  	s21 =	simm.s32 $0xF958;
	s22 =	sand.u32 $0x1FFFFFC0, s9;
	s6 =	sand.u32 $0x1FFFFFC0, s6  }
0x1a: {  	s9 =	sand.u32 $0xFFFFFFF8, s10;
	s11 =	sadd.s32 s3, s6;
	s6 =	smov.u32 s4  }
0x1b: {  	s10 =	sadd.s32 s3, s22;
	s6 =	simm.s32 @!p0 $0x3070;
	p0 =	slt.s32 s4, $0x3138  }
0x1c: {  	s22 =	simm.s32 $0x15D58;
	s6 =	sadd.s32 s7, s6;
	s12 =	simm.s32 @!p0 $0x3138  }
0x1d: {  	p0 =	sne.s32 s0, $0x0;
	s0 =	simm.s32 $0x0;
	s6 =	sshll.u32 s6, $0x4  }
0x1e: {  	s7 =	sadd.s32 s7, s12;
	s12 =	sadd.s32 s5, s3;
	s16 =	sshrl.u32 @!p0 s1, $0x3  }
0x1f: {  	s6 =	sand.u32 $0x1FFFFFC0, s6;
	s7 =	sshll.u32 s7, $0x4;
	s24 =	sadd.s32 $0x2580, s12  }
0x20: {  	s25 =	sadd.s32 $0x1900, s12;
	s26 =	sadd.s32 $0xC80, s12;
	[dreg:$0x4] =	wrdreg s24  }
0x21: {  	s13 =	sadd.s32 s3, s6;
	s23 =	sand.u32 $0x1FFFFFC0, s7;
	[dreg:$0x5] =	wrdreg s25  }
0x22: {  	[dreg:$0x6] =	wrdreg s26;
	s24 =	simm.s32 $0x2;
	s25 =	simm.s32 $0x3  }
0x23: {  	s26 =	simm.s32 $0x4;
	s14 =	sadd.s32 s3, s23;
	s23 =	simm.s32 $0x1  }
.LBB2_1:
0x24: {  	s3 =	simm.s32 @!p0 $0x1C09;
	s5 =	rddreg [dreg:$0x7]  }
0x25: {  	[spmem:s16], [sflag:s3] =	dma.local @!p0 [hbm:s5], $0x100  }
0x26: {  	s3 =	simm.s32 @!p0 $0x9  }
0x27: {  	_ =	swait.ge @!p0 [sflag:s3], $0x100  }
0x28: {  	[sflag:s3] =	ssyncset.done @!p0 $0x0  }
0x29: {  	s7 =	rddreg [dreg:$0x8];
	[sflag:s3] =	ssyncadd.s32 @!p0 $0xFFFFFF00  }
0x2a: {  	[tilespmem:s2], [sflag:$0x9] =	stream.linear.gather [hbm4b:s7+s2], $0x30D8, $0x38;
	[tilespmem:$0x1C158] =	vst v63  }
0x2b: {  	_ =	swait.ge [sflag:s17], $0x30D8  }
0x2c: {  	[sflag:s17] =	ssyncset.done $0x0  }
0x2d: {  	[sflag:s17] =	ssyncadd.s32 $0xFFFFCF28  }
0x2e: {  	[bflag:$0x0] =	sbarrier.arrive $0xFFFF  }
0x2f: {  	s8 =	rddreg [dreg:$0x9]  }
0x30: {  	[tilespmem:s19], [sflag:$0x1] =	stream.indirect.gather [spmem:s1], $0x80, s8, s18, $0xb8;
	[tilespmem:$0x1C158] =	vst v63  }
0x31: {  	s5 =	rddreg [dreg:$0xa]  }
0x32: {  	[tilespmem:s20], [sflag:$0x2] =	stream.indirect.gather [spmem:s1], $0x80, s5, s18, $0xb8;
	[tilespmem:$0x1C158] =	vst v63  }
0x33: {  	s6 =	rddreg [dreg:$0xb]  }
0x34: {  	[tilespmem:s21], [sflag:$0x3] =	stream.indirect.gather [spmem:s1], $0x80, s6, s18, $0xb8;
	[tilespmem:$0x1C158] =	vst v63  }
0x35: {  	_ = 	snop  }
0x36: {  	[tilespmem:s22], [sflag:$0x4] =	stream.indirect.gather [spmem:s1], $0x80, s9, s18, $0xb8;
	[tilespmem:$0x1C158] =	vst v63  }
0x37: {  	_ =	swait.ge [sflag:s23], $0x6400  }
0x38: {  	[sflag:s23] =	ssyncset.done $0x0  }
0x39: {  	s7 =	sadd.s32 $0x0, s12;
	[sflag:s23] =	ssyncadd.s32 $0xFFFF9C00  }
0x3a: {  	[hbm4b:s7+s2] =	stream.linear.scatter [tilespmem:s19], [sflag:$0x5], $0x6400, $0x38;
	[tilespmem:$0x1C158] =	vst v63  }
0x3b: {  	_ =	swait.ge [sflag:s24], $0x6400  }
0x3c: {  	s8 =	rddreg [dreg:$0x6];
	[sflag:s24] =	ssyncset.done $0x0  }
0x3d: {  	[sflag:s24] =	ssyncadd.s32 $0xFFFF9C00;
	s3 =	sadd.s32 $0x0, s8  }
0x3e: {  	[hbm4b:s3+s2] =	stream.linear.scatter [tilespmem:s20], [sflag:$0x6], $0x6400, $0x38;
	[tilespmem:$0x1C158] =	vst v63  }
0x3f: {  	_ =	swait.ge [sflag:s25], $0x6400  }
0x40: {  	s5 =	rddreg [dreg:$0x5];
	[sflag:s25] =	ssyncset.done $0x0  }
0x41: {  	[sflag:s25] =	ssyncadd.s32 $0xFFFF9C00;
	s3 =	sadd.s32 $0x0, s5  }
0x42: {  	[hbm4b:s3+s2] =	stream.linear.scatter [tilespmem:s21], [sflag:$0x7], $0x6400, $0x38;
	[tilespmem:$0x1C158] =	vst v63  }
0x43: {  	_ =	swait.ge [sflag:s26], $0x6400  }
0x44: {  	s6 =	rddreg [dreg:$0x4];
	[sflag:s26] =	ssyncset.done $0x0  }
0x45: {  	[sflag:s26] =	ssyncadd.s32 $0xFFFF9C00;
	s3 =	sadd.s32 $0x0, s6  }
0x46: {  	[hbm4b:s3+s2] =	stream.linear.scatter [tilespmem:s22], [sflag:$0x8], $0x6400, $0x38;
	[tilespmem:$0x1C158] =	vst v63  }
0x47: {  	_ =	swait.ge [sflag:s28], $0x6400  }
0x48: {  	[sflag:s28] =	ssyncset.done $0x0  }
0x49: {  	s7 =	simm.s32 $0x320;
	[sflag:s28] =	ssyncadd.s32 $0xFFFF9C00  }
0x4a: {  	[tilespmem:s19], [sflag:$0x1] =	stream.indirect.gather [spmem:s1], $0x80, s7, s18, $0xb8;
	[tilespmem:$0x1C158] =	vst v63  }
0x4b: {  	_ =	swait.ge [sflag:s29], $0x6400  }
0x4c: {  	[sflag:s29] =	ssyncset.done $0x0  }
0x4d: {  	p1 =	sgt.s32 s4, $0x4B0;
	s8 =	simm.s32 $0x3E8;
	[sflag:s29] =	ssyncadd.s32 $0xFFFF9C00  }
0x4e: {  	[tilespmem:s20], [sflag:$0x2] =	stream.indirect.gather [spmem:s1], $0x80, s8, s18, $0xb8;
	[tilespmem:$0x1C158] =	vst v63  }
0x4f: {  	s5 =	smov.u32 s4;
	s3 =	simm.s32 $0x4B0;
	_ =	swait.ge [sflag:s30], $0x6400  }
0x50: {  	s6 =	simm.s32 $0x578;
	s5 =	smov.u32 @p1 s3;
	[sflag:s30] =	ssyncset.done $0x0  }
0x51: {  	p1 =	sgt.s32 s4, $0x578;
	s3 =	sand.u32 $0xFFFFFFF8, s5;
	[sflag:s30] =	ssyncadd.s32 $0xFFFF9C00  }
0x52: {  	[tilespmem:s21], [sflag:$0x3] =	stream.indirect.gather [spmem:s1], $0x80, s3, s18, $0xb8;
	[tilespmem:$0x1C158] =	vst v63  }
0x53: {  	s5 =	simm.s32 $0x898;
	s7 =	smov.u32 s4;
	_ =	swait.ge [sflag:s31], $0x6400  }
0x54: {  	s7 =	smov.u32 @p1 s6;
	s6 =	simm.s32 $0x708;
	[sflag:s31] =	ssyncset.done $0x0  }
0x55: {  	s7 =	sand.u32 $0xFFFFFFF8, s7;
	s3 =	simm.s32 $0x3200;
	[sflag:s31] =	ssyncadd.s32 $0xFFFF9C00  }
.LBB2_2:
0x56: {  	[tilespmem:s22], [sflag:$0x4] =	stream.indirect.gather [spmem:s1], $0x80, s7, s18, $0xb8;
	[tilespmem:$0x1C158] =	vst v63  }
0x57: {  	_ =	swait.ge [sflag:s23], $0x6400  }
0x58: {  	s7 =	smov.u32 s3;
	[sflag:s23] =	ssyncset.done $0x0  }
0x59: {  	s8 =	sadd.s32 s7, s12;
	[sflag:s23] =	ssyncadd.s32 $0xFFFF9C00  }
0x5a: {  	[hbm4b:s8+s2] =	stream.linear.scatter [tilespmem:s19], [sflag:$0x5], $0x6400, $0x38;
	[tilespmem:$0x1C158] =	vst v63  }
0x5b: {  	_ =	swait.ge [sflag:s24], $0x6400  }
0x5c: {  	s8 =	rddreg [dreg:$0x6];
	[sflag:s24] =	ssyncset.done $0x0  }
0x5d: {  	[sflag:s24] =	ssyncadd.s32 $0xFFFF9C00;
	s8 =	sadd.s32 s7, s8  }
0x5e: {  	[hbm4b:s8+s2] =	stream.linear.scatter [tilespmem:s20], [sflag:$0x6], $0x6400, $0x38;
	[tilespmem:$0x1C158] =	vst v63  }
0x5f: {  	_ =	swait.ge [sflag:s25], $0x6400  }
0x60: {  	s8 =	rddreg [dreg:$0x5];
	[sflag:s25] =	ssyncset.done $0x0  }
0x61: {  	[sflag:s25] =	ssyncadd.s32 $0xFFFF9C00;
	s8 =	sadd.s32 s7, s8  }
0x62: {  	[hbm4b:s8+s2] =	stream.linear.scatter [tilespmem:s21], [sflag:$0x7], $0x6400, $0x38;
	[tilespmem:$0x1C158] =	vst v63  }
0x63: {  	_ =	swait.ge [sflag:s26], $0x6400  }
0x64: {  	s8 =	rddreg [dreg:$0x4];
	[sflag:s26] =	ssyncset.done $0x0  }
0x65: {  	[sflag:s26] =	ssyncadd.s32 $0xFFFF9C00;
	s7 =	sadd.s32 s7, s8  }
0x66: {  	[hbm4b:s7+s2] =	stream.linear.scatter [tilespmem:s22], [sflag:$0x8], $0x6400, $0x38;
	[tilespmem:$0x1C158] =	vst v63  }
0x67: {  	_ =	swait.ge [sflag:s28], $0x6400  }
0x68: {  	[sflag:s28] =	ssyncset.done $0x0  }
0x69: {  	s8 =	sadd.s32 $0xFFFFFF38, s6;
	[sflag:s28] =	ssyncadd.s32 $0xFFFF9C00  }
0x6a: {  	[tilespmem:s19], [sflag:$0x1] =	stream.indirect.gather [spmem:s1], $0x80, s8, s18, $0xb8;
	[tilespmem:$0x1C158] =	vst v63  }
0x6b: {  	_ =	swait.ge [sflag:s29], $0x6400  }
0x6c: {  	[sflag:s29] =	ssyncset.done $0x0  }
0x6d: {  	p1 =	sne.s32 s3, $0x2BC00;
	s7 =	sadd.s32 $0xFFFFFF38, s5;
	[sflag:s29] =	ssyncadd.s32 $0xFFFF9C00  }
0x6e: {  	[tilespmem:s20], [sflag:$0x2] =	stream.indirect.gather [spmem:s1], $0x80, s6, s18, $0xb8;
	[tilespmem:$0x1C158] =	vst v63  }
0x6f: {  	p2 =	slt.s32 s7, s4;
	s8 =	smov.u32 s4;
	_ =	swait.ge [sflag:s30], $0x6400  }
0x70: {  	s3 =	sadd.s32 $0x3200, s3;
	s8 =	smov.u32 @p2 s7;
	[sflag:s30] =	ssyncset.done $0x0  }
.Ltmp0:
0x71: {  	s7 =	sand.u32 $0xFFFFFFF8, s8;
	[sflag:s30] =	ssyncadd.s32 $0xFFFF9C00;
	(pc) =	sbr.rel @p1 .LBB2_2-.Ltmp0, $4  }
0x72: {  	[tilespmem:s21], [sflag:$0x3] =	stream.indirect.gather [spmem:s1], $0x80, s7, s18, $0xb8;
	[tilespmem:$0x1C158] =	vst v63  }
0x73: {  	p2 =	slt.s32 s5, s4;
	s7 =	smov.u32 s4;
	_ =	swait.ge [sflag:s31], $0x6400  }
0x74: {  	s6 =	sadd.s32 $0x320, s6;
	s7 =	smov.u32 @p2 s5;
	[sflag:s31] =	ssyncset.done $0x0  }
0x75: {  	s5 =	sadd.s32 $0x320, s5;
	s7 =	sand.u32 $0xFFFFFFF8, s7;
	[sflag:s31] =	ssyncadd.s32 $0xFFFF9C00  }
0x76: {  	[tilespmem:s22], [sflag:$0x4] =	stream.indirect.gather [spmem:s1], $0x80, s7, s18, $0xb8;
	[tilespmem:$0x1C158] =	vst v63  }
0x77: {  	_ =	swait.ge [sflag:s23], $0x6400  }
0x78: {  	[sflag:s23] =	ssyncset.done $0x0  }
0x79: {  	[sflag:s23] =	ssyncadd.s32 $0xFFFF9C00  }
0x7a: {  	[hbm4b:s10+s2] =	stream.linear.scatter [tilespmem:s19], [sflag:$0x5], $0x6400, $0x38;
	[tilespmem:$0x1C158] =	vst v63  }
0x7b: {  	_ =	swait.ge [sflag:s24], $0x6400  }
0x7c: {  	[sflag:s24] =	ssyncset.done $0x0  }
0x7d: {  	[sflag:s24] =	ssyncadd.s32 $0xFFFF9C00  }
0x7e: {  	[hbm4b:s11+s2] =	stream.linear.scatter [tilespmem:s20], [sflag:$0x6], $0x6400, $0x38;
	[tilespmem:$0x1C158] =	vst v63  }
0x7f: {  	_ =	swait.ge [sflag:s25], $0x6400  }
0x80: {  	[sflag:s25] =	ssyncset.done $0x0  }
0x81: {  	[sflag:s25] =	ssyncadd.s32 $0xFFFF9C00  }
0x82: {  	[hbm4b:s13+s2] =	stream.linear.scatter [tilespmem:s21], [sflag:$0x7], $0x6400, $0x38;
	[tilespmem:$0x1C158] =	vst v63  }
0x83: {  	_ =	swait.ge [sflag:s26], $0x6400  }
0x84: {  	[sflag:s26] =	ssyncset.done $0x0  }
0x85: {  	[sflag:s26] =	ssyncadd.s32 $0xFFFF9C00  }
0x86: {  	[hbm4b:s14+s2] =	stream.linear.scatter [tilespmem:s22], [sflag:$0x8], $0x6400, $0x38;
	[tilespmem:$0x1C158] =	vst v63  }
0x87: {  	_ =	swait.ge [sflag:s28], $0x6400  }
0x88: {  	[sflag:s28] =	ssyncset.done $0x0  }
0x89: {  	[sflag:s28] =	ssyncadd.s32 $0xFFFF9C00  }
0x8a: {  	_ =	swait.ge [sflag:s29], $0x6400  }
0x8b: {  	[sflag:s29] =	ssyncset.done $0x0  }
0x8c: {  	s0 =	sadd.s32 $0x1, s0;
	[sflag:s29] =	ssyncadd.s32 $0xFFFF9C00  }
0x8d: {  	p1 =	sne.s32 s0, s15;
	_ =	swait.ge [sflag:s30], $0x6400  }
.Ltmp1:
0x8e: {  	[sflag:s30] =	ssyncset.done $0x0;
	(pc) =	sbr.rel @p1 .LBB2_1-.Ltmp1, $4  }
0x8f: {  	[sflag:s30] =	ssyncadd.s32 $0xFFFF9C00  }
0x90: {  	_ =	swait.ge [sflag:s31], $0x6400  }
0x91: {  	[sflag:s31] =	ssyncset.done $0x0  }
0x92: {  	[sflag:s31] =	ssyncadd.s32 $0xFFFF9C00  }
0x93: {  	_ =	sfence.sel $0x180000  }
0x94: {  	[bflag:$0x0] =	sbarrier.arrive $0xFFFF  }
0x95: {  	_ =	strace $0x90000047  }
0x96: {  	[bflag:$0x2] =	sbarrier.arrive $0xFFFF  }
0x97: {  	s0 =	rddreg [dreg:$0x3]  }
0x98: {  	s0 =	sadd.s32 @!p0 $0x100000, s0  }
0x99: {  	[sflag:s0] =	ssyncadd.tile.s32 @!p0 $0x1;
	_ =	shalt  }
.Lfunc_end2:
_tile_overlayer_lowered:
.L_overlay_start_2:
0x9a: {  	(tag) =	ssettag $0x2  }
0x9b: {  	s0 =	rddreg [dreg:$0x0];
	s2 =	stileid.u32  }
0x9c: {  	s1 =	rddreg [dreg:$0x1];
	p0 =	sne.s32 s2, $0x0  }
0x9d: {  	s3 =	rddreg [dreg:$0x2];
	[bflag:$0x3] =	sbarrier.arrive $0xFFFF;
	s2 =	simm.s32 @!p0 $0x1C09  }
0x9e: {  	[timem:s3], [sflag:s2] =	dma.local @!p0 [hbm:s0], s1  }
0x9f: {  	s0 =	simm.s32 @!p0 $0x9  }
0xa0: {  	_ =	swait.ge @!p0 [sflag:s0], s1  }
0xa1: {  	s1 =	ssub.s32 @!p0 $0x0, s1;
	[sflag:s0] =	ssyncset.done @!p0 $0x0  }
0xa2: {  	[sflag:s0] =	ssyncadd.s32 @!p0 s1  }
0xa3: {  	[bflag:$0x3] =	sbarrier.arrive $0xFFFF  }
0xa4: {  	_ =	shalt  }

</sc_bundles>
